<compile_context>
chip_gen: v7x
topology: tpu7x:2x2x1
jax: 0.10.2.dev20260603
libtpu: 0.0.44.dev20260713+nightly
codegen_flags: <defaults>
</compile_context>

<pallas_src>
import functools

import jax
import jax.numpy as jnp
from jax import lax
from jax.experimental import pallas as pl
from jax.experimental.pallas import tpu as pltpu
from jax.experimental.pallas import tpu_sc as plsc

_L = 16
_NC = 2
_NS = 16
_NW = _NC * _NS


@functools.lru_cache(maxsize=None)
def _build(T, B):
    b_per_w = B // _NW
    mesh = plsc.VectorSubcoreMesh(core_axis_name="c", subcore_axis_name="s")

    @functools.partial(
        pl.kernel,
        mesh=mesh,
        out_type=jax.ShapeDtypeStruct((B,), jnp.float32),
        scratch_types=[
            pltpu.VMEM((T,), jnp.float32),
            pltpu.VMEM((b_per_w,), jnp.int32),
            pltpu.VMEM((b_per_w,), jnp.float32),
            pltpu.SemaphoreType.DMA,
            pltpu.SemaphoreType.DMA,
        ],
        compiler_params=pltpu.CompilerParams(needs_layout_passes=False),
    )
    def gather_kernel(arr_hbm, t_hbm, out_hbm, tab_v, idx_v, val_v, sem_a, sem_b):
        wid = lax.axis_index("s") * _NC + lax.axis_index("c")
        base = wid * b_per_w
        tab_cp = pltpu.async_copy(arr_hbm, tab_v, sem_a)
        idx_cp = pltpu.async_copy(t_hbm.at[pl.ds(base, b_per_w)], idx_v, sem_b)
        tab_cp.wait()
        idx_cp.wait()

        half = b_per_w // 2
        for i in range(half // _L):
            off = i * _L
            idx = idx_v[pl.ds(off, _L)]
            val_v[pl.ds(off, _L)] = plsc.load_gather(tab_v, [idx])
        out1 = pltpu.async_copy(
            val_v.at[pl.ds(0, half)], out_hbm.at[pl.ds(base, half)], sem_a
        )
        for i in range(half // _L, b_per_w // _L):
            off = i * _L
            idx = idx_v[pl.ds(off, _L)]
            val_v[pl.ds(off, _L)] = plsc.load_gather(tab_v, [idx])
        out2 = pltpu.async_copy(
            val_v.at[pl.ds(half, half)], out_hbm.at[pl.ds(base + half, half)], sem_b
        )
        out1.wait()
        out2.wait()

    return gather_kernel


def kernel(arr, t, x):
    B = t.shape[0]
    out = _build(arr.shape[0], B)(arr, t)
    return out.reshape((B,) + (1,) * (x.ndim - 1))

# --- scband reference (transcript-rebuilt; emitter-appended) ---
"""Pipeline reference for scband-diffusion-schedule-17188459119184 (READ-ONLY COPY).

The authoritative reference and input builder live on the scoring server;
editing this copy changes nothing except your own understanding.
"""

import jax, jax.numpy as jnp
import numpy as np
import math

N_STEPS = 1000
COSINE_S = 0.008
B = 16384


def make_beta_schedule_cosine(n_steps, cosine_s=COSINE_S):
    steps = n_steps + 1
    x = jnp.linspace(0.0, float(n_steps), steps, dtype=jnp.float32)
    alphas_cumprod = jnp.cos((x / n_steps + cosine_s) / (1.0 + cosine_s) * math.pi * 0.5) ** 2
    alphas_cumprod = alphas_cumprod / alphas_cumprod[0]
    betas = 1.0 - alphas_cumprod[1:] / alphas_cumprod[:-1]
    return jnp.clip(betas, 1e-8, 0.999)


def setup_inputs(seed: int = 0) -> dict:
    key = jax.random.key(seed)
    k1, k2 = jax.random.split(key)
    # Faithful precomputed buffer: sqrt_alphas_cumprod from the cosine schedule
    betas = make_beta_schedule_cosine(N_STEPS)
    alphas = 1.0 - betas
    alphas_cumprod = jnp.cumprod(alphas)
    arr = jnp.sqrt(alphas_cumprod)  # shape (T,)
    t = jax.random.randint(k1, (B,), 0, N_STEPS, dtype=jnp.int32)
    x = jax.random.normal(k2, (B, 50, 32), dtype=jnp.float32)
    return {"arr": arr, "t": t, "x": x}


def reference(arr, t, x):
    # DiffusionSchedule.extract: gather per-batch coefficients from (T,) buffer
    # and reshape to (B, 1, ..., 1) for broadcasting against x.
    bsz = t.shape[0]
    out = jnp.take(arr, t, axis=0)
    return out.reshape((bsz,) + (1,) * (x.ndim - 1))

if __name__ == "__main__":
    import jax
    _d = setup_inputs()
    print(jax.jit(kernel)(*tuple(_d.values())))

</pallas_src>

<mosaic_0001>
#map = affine_map<(d0, d1) -> (0)>
module attributes {stable_mosaic.version = 14 : i64} {
  func.func @gather_kernel(%arg0: i32, %arg1: i32, %arg2: memref<1000xf32, #tpu.memory_space<hbm>>, %arg3: memref<16384xi32, #tpu.memory_space<hbm>>, %arg4: memref<16384xf32, #tpu.memory_space<hbm>>, %arg5: memref<1000xf32, #tpu.memory_space<vmem>>, %arg6: memref<512xi32, #tpu.memory_space<vmem>>, %arg7: memref<512xf32, #tpu.memory_space<vmem>>, %arg8: memref<!tpu.dma_semaphore, #tpu.memory_space<semaphore_mem>>, %arg9: memref<!tpu.dma_semaphore, #tpu.memory_space<semaphore_mem>>) attributes {dimension_semantics = [#tpu.dimension_semantics<core_parallel>, #tpu.dimension_semantics<subcore_parallel>], iteration_bounds = array<i64: 2, 16>, scalar_prefetch = 0 : i64, scratch_operands = 5 : i64, tpu.core_type = #tpu.core_type<sc_vector_subcore>, window_params = [{transform_indices = #map}, {transform_indices = #map}, {transform_indices = #map}]} {
    %mul3A = arith.constant 2 : i32
    %mul3A_0 = arith.muli %arg1, %mul3A : i32
    %add3A = arith.addi %mul3A_0, %arg0 : i32
    %mul3A_1 = arith.constant 512 : i32
    %mul3A_2 = arith.muli %add3A, %mul3A_1 : i32
    tpu.enqueue_dma source(%arg2 : memref<1000xf32, #tpu.memory_space<hbm>>) target(%arg5 : memref<1000xf32, #tpu.memory_space<vmem>>) target_semaphore(%arg8 : memref<!tpu.dma_semaphore, #tpu.memory_space<semaphore_mem>>)
    %dma_start3A = tpu.memref_slice %arg3[%mul3A_2] : memref<16384xi32, #tpu.memory_space<hbm>> -> memref<512xi32, #tpu.memory_space<hbm>>
    %dma_start3A_3 = tpu.memref_slice %arg3[%mul3A_2] : memref<16384xi32, #tpu.memory_space<hbm>> -> memref<512xi32, #tpu.memory_space<hbm>>
    tpu.enqueue_dma source(%dma_start3A_3 : memref<512xi32, #tpu.memory_space<hbm>>) target(%arg6 : memref<512xi32, #tpu.memory_space<vmem>>) target_semaphore(%arg9 : memref<!tpu.dma_semaphore, #tpu.memory_space<semaphore_mem>>)
    tpu.wait_dma2 semaphore(%arg8 : memref<!tpu.dma_semaphore, #tpu.memory_space<semaphore_mem>>) src(%arg2 : memref<1000xf32, #tpu.memory_space<hbm>>) dst(%arg5 : memref<1000xf32, #tpu.memory_space<vmem>>)
    %dma_wait3A = tpu.memref_slice %arg3[%mul3A_2] : memref<16384xi32, #tpu.memory_space<hbm>> -> memref<512xi32, #tpu.memory_space<hbm>>
    %dma_wait3A_4 = tpu.memref_slice %arg3[%mul3A_2] : memref<16384xi32, #tpu.memory_space<hbm>> -> memref<512xi32, #tpu.memory_space<hbm>>
    tpu.wait_dma2 semaphore(%arg9 : memref<!tpu.dma_semaphore, #tpu.memory_space<semaphore_mem>>) src(%dma_wait3A_4 : memref<512xi32, #tpu.memory_space<hbm>>) dst(%arg6 : memref<512xi32, #tpu.memory_space<vmem>>)
    %get3A = arith.constant 0 : index
    %get3A_5 = tpu.vector_load %arg6[%get3A] {strides = array<i32>} : memref<512xi32, #tpu.memory_space<vmem>>, vector<16xi32>,
    %gather3A = tpu.vector_load_idx %arg5[%get3A_5] : memref<1000xf32, #tpu.memory_space<vmem>>[vector<16xi32>], vector<16xf32>,
    %swap3A = arith.constant 0 : index
    %swap3A_6 = tpu.vector_load %arg7[%swap3A] {strides = array<i32>} : memref<512xf32, #tpu.memory_space<vmem>>, vector<16xf32>,
    tpu.vector_store %arg7[%swap3A], %gather3A {strides = array<i32>} : memref<512xf32, #tpu.memory_space<vmem>>, vector<16xf32>,
    %get3A_7 = arith.constant 16 : index
    %get3A_8 = tpu.vector_load %arg6[%get3A_7] {strides = array<i32>} : memref<512xi32, #tpu.memory_space<vmem>>, vector<16xi32>,
    %gather3A_9 = tpu.vector_load_idx %arg5[%get3A_8] : memref<1000xf32, #tpu.memory_space<vmem>>[vector<16xi32>], vector<16xf32>,
    %swap3A_10 = arith.constant 16 : index
    %swap3A_11 = tpu.vector_load %arg7[%swap3A_10] {strides = array<i32>} : memref<512xf32, #tpu.memory_space<vmem>>, vector<16xf32>,
    tpu.vector_store %arg7[%swap3A_10], %gather3A_9 {strides = array<i32>} : memref<512xf32, #tpu.memory_space<vmem>>, vector<16xf32>,
    %get3A_12 = arith.constant 32 : index
    %get3A_13 = tpu.vector_load %arg6[%get3A_12] {strides = array<i32>} : memref<512xi32, #tpu.memory_space<vmem>>, vector<16xi32>,
    %gather3A_14 = tpu.vector_load_idx %arg5[%get3A_13] : memref<1000xf32, #tpu.memory_space<vmem>>[vector<16xi32>], vector<16xf32>,
    %swap3A_15 = arith.constant 32 : index
    %swap3A_16 = tpu.vector_load %arg7[%swap3A_15] {strides = array<i32>} : memref<512xf32, #tpu.memory_space<vmem>>, vector<16xf32>,
    tpu.vector_store %arg7[%swap3A_15], %gather3A_14 {strides = array<i32>} : memref<512xf32, #tpu.memory_space<vmem>>, vector<16xf32>,
    %get3A_17 = arith.constant 48 : index
    %get3A_18 = tpu.vector_load %arg6[%get3A_17] {strides = array<i32>} : memref<512xi32, #tpu.memory_space<vmem>>, vector<16xi32>,
    %gather3A_19 = tpu.vector_load_idx %arg5[%get3A_18] : memref<1000xf32, #tpu.memory_space<vmem>>[vector<16xi32>], vector<16xf32>,
    %swap3A_20 = arith.constant 48 : index
    %swap3A_21 = tpu.vector_load %arg7[%swap3A_20] {strides = array<i32>} : memref<512xf32, #tpu.memory_space<vmem>>, vector<16xf32>,
    tpu.vector_store %arg7[%swap3A_20], %gather3A_19 {strides = array<i32>} : memref<512xf32, #tpu.memory_space<vmem>>, vector<16xf32>,
    %get3A_22 = arith.constant 64 : index
    %get3A_23 = tpu.vector_load %arg6[%get3A_22] {strides = array<i32>} : memref<512xi32, #tpu.memory_space<vmem>>, vector<16xi32>,
    %gather3A_24 = tpu.vector_load_idx %arg5[%get3A_23] : memref<1000xf32, #tpu.memory_space<vmem>>[vector<16xi32>], vector<16xf32>,
    %swap3A_25 = arith.constant 64 : index
    %swap3A_26 = tpu.vector_load %arg7[%swap3A_25] {strides = array<i32>} : memref<512xf32, #tpu.memory_space<vmem>>, vector<16xf32>,
    tpu.vector_store %arg7[%swap3A_25], %gather3A_24 {strides = array<i32>} : memref<512xf32, #tpu.memory_space<vmem>>, vector<16xf32>,
    %get3A_27 = arith.constant 80 : index
    %get3A_28 = tpu.vector_load %arg6[%get3A_27] {strides = array<i32>} : memref<512xi32, #tpu.memory_space<vmem>>, vector<16xi32>,
    %gather3A_29 = tpu.vector_load_idx %arg5[%get3A_28] : memref<1000xf32, #tpu.memory_space<vmem>>[vector<16xi32>], vector<16xf32>,
    %swap3A_30 = arith.constant 80 : index
    %swap3A_31 = tpu.vector_load %arg7[%swap3A_30] {strides = array<i32>} : memref<512xf32, #tpu.memory_space<vmem>>, vector<16xf32>,
    tpu.vector_store %arg7[%swap3A_30], %gather3A_29 {strides = array<i32>} : memref<512xf32, #tpu.memory_space<vmem>>, vector<16xf32>,
    %get3A_32 = arith.constant 96 : index
    %get3A_33 = tpu.vector_load %arg6[%get3A_32] {strides = array<i32>} : memref<512xi32, #tpu.memory_space<vmem>>, vector<16xi32>,
    %gather3A_34 = tpu.vector_load_idx %arg5[%get3A_33] : memref<1000xf32, #tpu.memory_space<vmem>>[vector<16xi32>], vector<16xf32>,
    %swap3A_35 = arith.constant 96 : index
    %swap3A_36 = tpu.vector_load %arg7[%swap3A_35] {strides = array<i32>} : memref<512xf32, #tpu.memory_space<vmem>>, vector<16xf32>,
    tpu.vector_store %arg7[%swap3A_35], %gather3A_34 {strides = array<i32>} : memref<512xf32, #tpu.memory_space<vmem>>, vector<16xf32>,
    %get3A_37 = arith.constant 112 : index
    %get3A_38 = tpu.vector_load %arg6[%get3A_37] {strides = array<i32>} : memref<512xi32, #tpu.memory_space<vmem>>, vector<16xi32>,
    %gather3A_39 = tpu.vector_load_idx %arg5[%get3A_38] : memref<1000xf32, #tpu.memory_space<vmem>>[vector<16xi32>], vector<16xf32>,
    %swap3A_40 = arith.constant 112 : index
    %swap3A_41 = tpu.vector_load %arg7[%swap3A_40] {strides = array<i32>} : memref<512xf32, #tpu.memory_space<vmem>>, vector<16xf32>,
    tpu.vector_store %arg7[%swap3A_40], %gather3A_39 {strides = array<i32>} : memref<512xf32, #tpu.memory_space<vmem>>, vector<16xf32>,
    %get3A_42 = arith.constant 128 : index
    %get3A_43 = tpu.vector_load %arg6[%get3A_42] {strides = array<i32>} : memref<512xi32, #tpu.memory_space<vmem>>, vector<16xi32>,
    %gather3A_44 = tpu.vector_load_idx %arg5[%get3A_43] : memref<1000xf32, #tpu.memory_space<vmem>>[vector<16xi32>], vector<16xf32>,
    %swap3A_45 = arith.constant 128 : index
    %swap3A_46 = tpu.vector_load %arg7[%swap3A_45] {strides = array<i32>} : memref<512xf32, #tpu.memory_space<vmem>>, vector<16xf32>,
    tpu.vector_store %arg7[%swap3A_45], %gather3A_44 {strides = array<i32>} : memref<512xf32, #tpu.memory_space<vmem>>, vector<16xf32>,
    %get3A_47 = arith.constant 144 : index
    %get3A_48 = tpu.vector_load %arg6[%get3A_47] {strides = array<i32>} : memref<512xi32, #tpu.memory_space<vmem>>, vector<16xi32>,
    %gather3A_49 = tpu.vector_load_idx %arg5[%get3A_48] : memref<1000xf32, #tpu.memory_space<vmem>>[vector<16xi32>], vector<16xf32>,
    %swap3A_50 = arith.constant 144 : index
    %swap3A_51 = tpu.vector_load %arg7[%swap3A_50] {strides = array<i32>} : memref<512xf32, #tpu.memory_space<vmem>>, vector<16xf32>,
    tpu.vector_store %arg7[%swap3A_50], %gather3A_49 {strides = array<i32>} : memref<512xf32, #tpu.memory_space<vmem>>, vector<16xf32>,
    %get3A_52 = arith.constant 160 : index
    %get3A_53 = tpu.vector_load %arg6[%get3A_52] {strides = array<i32>} : memref<512xi32, #tpu.memory_space<vmem>>, vector<16xi32>,
    %gather3A_54 = tpu.vector_load_idx %arg5[%get3A_53] : memref<1000xf32, #tpu.memory_space<vmem>>[vector<16xi32>], vector<16xf32>,
    %swap3A_55 = arith.constant 160 : index
    %swap3A_56 = tpu.vector_load %arg7[%swap3A_55] {strides = array<i32>} : memref<512xf32, #tpu.memory_space<vmem>>, vector<16xf32>,
    tpu.vector_store %arg7[%swap3A_55], %gather3A_54 {strides = array<i32>} : memref<512xf32, #tpu.memory_space<vmem>>, vector<16xf32>,
    %get3A_57 = arith.constant 176 : index
    %get3A_58 = tpu.vector_load %arg6[%get3A_57] {strides = array<i32>} : memref<512xi32, #tpu.memory_space<vmem>>, vector<16xi32>,
    %gather3A_59 = tpu.vector_load_idx %arg5[%get3A_58] : memref<1000xf32, #tpu.memory_space<vmem>>[vector<16xi32>], vector<16xf32>,
    %swap3A_60 = arith.constant 176 : index
    %swap3A_61 = tpu.vector_load %arg7[%swap3A_60] {strides = array<i32>} : memref<512xf32, #tpu.memory_space<vmem>>, vector<16xf32>,
    tpu.vector_store %arg7[%swap3A_60], %gather3A_59 {strides = array<i32>} : memref<512xf32, #tpu.memory_space<vmem>>, vector<16xf32>,
    %get3A_62 = arith.constant 192 : index
    %get3A_63 = tpu.vector_load %arg6[%get3A_62] {strides = array<i32>} : memref<512xi32, #tpu.memory_space<vmem>>, vector<16xi32>,
    %gather3A_64 = tpu.vector_load_idx %arg5[%get3A_63] : memref<1000xf32, #tpu.memory_space<vmem>>[vector<16xi32>], vector<16xf32>,
    %swap3A_65 = arith.constant 192 : index
    %swap3A_66 = tpu.vector_load %arg7[%swap3A_65] {strides = array<i32>} : memref<512xf32, #tpu.memory_space<vmem>>, vector<16xf32>,
    tpu.vector_store %arg7[%swap3A_65], %gather3A_64 {strides = array<i32>} : memref<512xf32, #tpu.memory_space<vmem>>, vector<16xf32>,
    %get3A_67 = arith.constant 208 : index
    %get3A_68 = tpu.vector_load %arg6[%get3A_67] {strides = array<i32>} : memref<512xi32, #tpu.memory_space<vmem>>, vector<16xi32>,
    %gather3A_69 = tpu.vector_load_idx %arg5[%get3A_68] : memref<1000xf32, #tpu.memory_space<vmem>>[vector<16xi32>], vector<16xf32>,
    %swap3A_70 = arith.constant 208 : index
    %swap3A_71 = tpu.vector_load %arg7[%swap3A_70] {strides = array<i32>} : memref<512xf32, #tpu.memory_space<vmem>>, vector<16xf32>,
    tpu.vector_store %arg7[%swap3A_70], %gather3A_69 {strides = array<i32>} : memref<512xf32, #tpu.memory_space<vmem>>, vector<16xf32>,
    %get3A_72 = arith.constant 224 : index
    %get3A_73 = tpu.vector_load %arg6[%get3A_72] {strides = array<i32>} : memref<512xi32, #tpu.memory_space<vmem>>, vector<16xi32>,
    %gather3A_74 = tpu.vector_load_idx %arg5[%get3A_73] : memref<1000xf32, #tpu.memory_space<vmem>>[vector<16xi32>], vector<16xf32>,
    %swap3A_75 = arith.constant 224 : index
    %swap3A_76 = tpu.vector_load %arg7[%swap3A_75] {strides = array<i32>} : memref<512xf32, #tpu.memory_space<vmem>>, vector<16xf32>,
    tpu.vector_store %arg7[%swap3A_75], %gather3A_74 {strides = array<i32>} : memref<512xf32, #tpu.memory_space<vmem>>, vector<16xf32>,
    %get3A_77 = arith.constant 240 : index
    %get3A_78 = tpu.vector_load %arg6[%get3A_77] {strides = array<i32>} : memref<512xi32, #tpu.memory_space<vmem>>, vector<16xi32>,
    %gather3A_79 = tpu.vector_load_idx %arg5[%get3A_78] : memref<1000xf32, #tpu.memory_space<vmem>>[vector<16xi32>], vector<16xf32>,
    %swap3A_80 = arith.constant 240 : index
    %swap3A_81 = tpu.vector_load %arg7[%swap3A_80] {strides = array<i32>} : memref<512xf32, #tpu.memory_space<vmem>>, vector<16xf32>,
    tpu.vector_store %arg7[%swap3A_80], %gather3A_79 {strides = array<i32>} : memref<512xf32, #tpu.memory_space<vmem>>, vector<16xf32>,
    %dma_start3A_82 = arith.constant 0 : i32
    %dma_start3A_83 = tpu.memref_slice %arg7[%dma_start3A_82] : memref<512xf32, #tpu.memory_space<vmem>> -> memref<256xf32, #tpu.memory_space<vmem>>
    %dma_start3A_84 = tpu.memref_slice %arg4[%mul3A_2] : memref<16384xf32, #tpu.memory_space<hbm>> -> memref<256xf32, #tpu.memory_space<hbm>>
    %dma_start3A_85 = tpu.memref_slice %arg4[%mul3A_2] : memref<16384xf32, #tpu.memory_space<hbm>> -> memref<256xf32, #tpu.memory_space<hbm>>
    %dma_start3A_86 = arith.constant 0 : i32
    %dma_start3A_87 = tpu.memref_slice %arg7[%dma_start3A_86] : memref<512xf32, #tpu.memory_space<vmem>> -> memref<256xf32, #tpu.memory_space<vmem>>
    tpu.enqueue_dma source(%dma_start3A_87 : memref<256xf32, #tpu.memory_space<vmem>>) target(%dma_start3A_85 : memref<256xf32, #tpu.memory_space<hbm>>) target_semaphore(%arg8 : memref<!tpu.dma_semaphore, #tpu.memory_space<semaphore_mem>>)
    %get3A_88 = arith.constant 256 : index
    %get3A_89 = tpu.vector_load %arg6[%get3A_88] {strides = array<i32>} : memref<512xi32, #tpu.memory_space<vmem>>, vector<16xi32>,
    %gather3A_90 = tpu.vector_load_idx %arg5[%get3A_89] : memref<1000xf32, #tpu.memory_space<vmem>>[vector<16xi32>], vector<16xf32>,
    %swap3A_91 = arith.constant 256 : index
    %swap3A_92 = tpu.vector_load %arg7[%swap3A_91] {strides = array<i32>} : memref<512xf32, #tpu.memory_space<vmem>>, vector<16xf32>,
    tpu.vector_store %arg7[%swap3A_91], %gather3A_90 {strides = array<i32>} : memref<512xf32, #tpu.memory_space<vmem>>, vector<16xf32>,
    %get3A_93 = arith.constant 272 : index
    %get3A_94 = tpu.vector_load %arg6[%get3A_93] {strides = array<i32>} : memref<512xi32, #tpu.memory_space<vmem>>, vector<16xi32>,
    %gather3A_95 = tpu.vector_load_idx %arg5[%get3A_94] : memref<1000xf32, #tpu.memory_space<vmem>>[vector<16xi32>], vector<16xf32>,
    %swap3A_96 = arith.constant 272 : index
    %swap3A_97 = tpu.vector_load %arg7[%swap3A_96] {strides = array<i32>} : memref<512xf32, #tpu.memory_space<vmem>>, vector<16xf32>,
    tpu.vector_store %arg7[%swap3A_96], %gather3A_95 {strides = array<i32>} : memref<512xf32, #tpu.memory_space<vmem>>, vector<16xf32>,
    %get3A_98 = arith.constant 288 : index
    %get3A_99 = tpu.vector_load %arg6[%get3A_98] {strides = array<i32>} : memref<512xi32, #tpu.memory_space<vmem>>, vector<16xi32>,
    %gather3A_100 = tpu.vector_load_idx %arg5[%get3A_99] : memref<1000xf32, #tpu.memory_space<vmem>>[vector<16xi32>], vector<16xf32>,
    %swap3A_101 = arith.constant 288 : index
    %swap3A_102 = tpu.vector_load %arg7[%swap3A_101] {strides = array<i32>} : memref<512xf32, #tpu.memory_space<vmem>>, vector<16xf32>,
    tpu.vector_store %arg7[%swap3A_101], %gather3A_100 {strides = array<i32>} : memref<512xf32, #tpu.memory_space<vmem>>, vector<16xf32>,
    %get3A_103 = arith.constant 304 : index
    %get3A_104 = tpu.vector_load %arg6[%get3A_103] {strides = array<i32>} : memref<512xi32, #tpu.memory_space<vmem>>, vector<16xi32>,
    %gather3A_105 = tpu.vector_load_idx %arg5[%get3A_104] : memref<1000xf32, #tpu.memory_space<vmem>>[vector<16xi32>], vector<16xf32>,
    %swap3A_106 = arith.constant 304 : index
    %swap3A_107 = tpu.vector_load %arg7[%swap3A_106] {strides = array<i32>} : memref<512xf32, #tpu.memory_space<vmem>>, vector<16xf32>,
    tpu.vector_store %arg7[%swap3A_106], %gather3A_105 {strides = array<i32>} : memref<512xf32, #tpu.memory_space<vmem>>, vector<16xf32>,
    %get3A_108 = arith.constant 320 : index
    %get3A_109 = tpu.vector_load %arg6[%get3A_108] {strides = array<i32>} : memref<512xi32, #tpu.memory_space<vmem>>, vector<16xi32>,
    %gather3A_110 = tpu.vector_load_idx %arg5[%get3A_109] : memref<1000xf32, #tpu.memory_space<vmem>>[vector<16xi32>], vector<16xf32>,
    %swap3A_111 = arith.constant 320 : index
    %swap3A_112 = tpu.vector_load %arg7[%swap3A_111] {strides = array<i32>} : memref<512xf32, #tpu.memory_space<vmem>>, vector<16xf32>,
    tpu.vector_store %arg7[%swap3A_111], %gather3A_110 {strides = array<i32>} : memref<512xf32, #tpu.memory_space<vmem>>, vector<16xf32>,
    %get3A_113 = arith.constant 336 : index
    %get3A_114 = tpu.vector_load %arg6[%get3A_113] {strides = array<i32>} : memref<512xi32, #tpu.memory_space<vmem>>, vector<16xi32>,
    %gather3A_115 = tpu.vector_load_idx %arg5[%get3A_114] : memref<1000xf32, #tpu.memory_space<vmem>>[vector<16xi32>], vector<16xf32>,
    %swap3A_116 = arith.constant 336 : index
    %swap3A_117 = tpu.vector_load %arg7[%swap3A_116] {strides = array<i32>} : memref<512xf32, #tpu.memory_space<vmem>>, vector<16xf32>,
    tpu.vector_store %arg7[%swap3A_116], %gather3A_115 {strides = array<i32>} : memref<512xf32, #tpu.memory_space<vmem>>, vector<16xf32>,
    %get3A_118 = arith.constant 352 : index
    %get3A_119 = tpu.vector_load %arg6[%get3A_118] {strides = array<i32>} : memref<512xi32, #tpu.memory_space<vmem>>, vector<16xi32>,
    %gather3A_120 = tpu.vector_load_idx %arg5[%get3A_119] : memref<1000xf32, #tpu.memory_space<vmem>>[vector<16xi32>], vector<16xf32>,
    %swap3A_121 = arith.constant 352 : index
    %swap3A_122 = tpu.vector_load %arg7[%swap3A_121] {strides = array<i32>} : memref<512xf32, #tpu.memory_space<vmem>>, vector<16xf32>,
    tpu.vector_store %arg7[%swap3A_121], %gather3A_120 {strides = array<i32>} : memref<512xf32, #tpu.memory_space<vmem>>, vector<16xf32>,
    %get3A_123 = arith.constant 368 : index
    %get3A_124 = tpu.vector_load %arg6[%get3A_123] {strides = array<i32>} : memref<512xi32, #tpu.memory_space<vmem>>, vector<16xi32>,
    %gather3A_125 = tpu.vector_load_idx %arg5[%get3A_124] : memref<1000xf32, #tpu.memory_space<vmem>>[vector<16xi32>], vector<16xf32>,
    %swap3A_126 = arith.constant 368 : index
    %swap3A_127 = tpu.vector_load %arg7[%swap3A_126] {strides = array<i32>} : memref<512xf32, #tpu.memory_space<vmem>>, vector<16xf32>,
    tpu.vector_store %arg7[%swap3A_126], %gather3A_125 {strides = array<i32>} : memref<512xf32, #tpu.memory_space<vmem>>, vector<16xf32>,
    %get3A_128 = arith.constant 384 : index
    %get3A_129 = tpu.vector_load %arg6[%get3A_128] {strides = array<i32>} : memref<512xi32, #tpu.memory_space<vmem>>, vector<16xi32>,
    %gather3A_130 = tpu.vector_load_idx %arg5[%get3A_129] : memref<1000xf32, #tpu.memory_space<vmem>>[vector<16xi32>], vector<16xf32>,
    %swap3A_131 = arith.constant 384 : index
    %swap3A_132 = tpu.vector_load %arg7[%swap3A_131] {strides = array<i32>} : memref<512xf32, #tpu.memory_space<vmem>>, vector<16xf32>,
    tpu.vector_store %arg7[%swap3A_131], %gather3A_130 {strides = array<i32>} : memref<512xf32, #tpu.memory_space<vmem>>, vector<16xf32>,
    %get3A_133 = arith.constant 400 : index
    %get3A_134 = tpu.vector_load %arg6[%get3A_133] {strides = array<i32>} : memref<512xi32, #tpu.memory_space<vmem>>, vector<16xi32>,
    %gather3A_135 = tpu.vector_load_idx %arg5[%get3A_134] : memref<1000xf32, #tpu.memory_space<vmem>>[vector<16xi32>], vector<16xf32>,
    %swap3A_136 = arith.constant 400 : index
    %swap3A_137 = tpu.vector_load %arg7[%swap3A_136] {strides = array<i32>} : memref<512xf32, #tpu.memory_space<vmem>>, vector<16xf32>,
    tpu.vector_store %arg7[%swap3A_136], %gather3A_135 {strides = array<i32>} : memref<512xf32, #tpu.memory_space<vmem>>, vector<16xf32>,
    %get3A_138 = arith.constant 416 : index
    %get3A_139 = tpu.vector_load %arg6[%get3A_138] {strides = array<i32>} : memref<512xi32, #tpu.memory_space<vmem>>, vector<16xi32>,
    %gather3A_140 = tpu.vector_load_idx %arg5[%get3A_139] : memref<1000xf32, #tpu.memory_space<vmem>>[vector<16xi32>], vector<16xf32>,
    %swap3A_141 = arith.constant 416 : index
    %swap3A_142 = tpu.vector_load %arg7[%swap3A_141] {strides = array<i32>} : memref<512xf32, #tpu.memory_space<vmem>>, vector<16xf32>,
    tpu.vector_store %arg7[%swap3A_141], %gather3A_140 {strides = array<i32>} : memref<512xf32, #tpu.memory_space<vmem>>, vector<16xf32>,
    %get3A_143 = arith.constant 432 : index
    %get3A_144 = tpu.vector_load %arg6[%get3A_143] {strides = array<i32>} : memref<512xi32, #tpu.memory_space<vmem>>, vector<16xi32>,
    %gather3A_145 = tpu.vector_load_idx %arg5[%get3A_144] : memref<1000xf32, #tpu.memory_space<vmem>>[vector<16xi32>], vector<16xf32>,
    %swap3A_146 = arith.constant 432 : index
    %swap3A_147 = tpu.vector_load %arg7[%swap3A_146] {strides = array<i32>} : memref<512xf32, #tpu.memory_space<vmem>>, vector<16xf32>,
    tpu.vector_store %arg7[%swap3A_146], %gather3A_145 {strides = array<i32>} : memref<512xf32, #tpu.memory_space<vmem>>, vector<16xf32>,
    %get3A_148 = arith.constant 448 : index
    %get3A_149 = tpu.vector_load %arg6[%get3A_148] {strides = array<i32>} : memref<512xi32, #tpu.memory_space<vmem>>, vector<16xi32>,
    %gather3A_150 = tpu.vector_load_idx %arg5[%get3A_149] : memref<1000xf32, #tpu.memory_space<vmem>>[vector<16xi32>], vector<16xf32>,
    %swap3A_151 = arith.constant 448 : index
    %swap3A_152 = tpu.vector_load %arg7[%swap3A_151] {strides = array<i32>} : memref<512xf32, #tpu.memory_space<vmem>>, vector<16xf32>,
    tpu.vector_store %arg7[%swap3A_151], %gather3A_150 {strides = array<i32>} : memref<512xf32, #tpu.memory_space<vmem>>, vector<16xf32>,
    %get3A_153 = arith.constant 464 : index
    %get3A_154 = tpu.vector_load %arg6[%get3A_153] {strides = array<i32>} : memref<512xi32, #tpu.memory_space<vmem>>, vector<16xi32>,
    %gather3A_155 = tpu.vector_load_idx %arg5[%get3A_154] : memref<1000xf32, #tpu.memory_space<vmem>>[vector<16xi32>], vector<16xf32>,
    %swap3A_156 = arith.constant 464 : index
    %swap3A_157 = tpu.vector_load %arg7[%swap3A_156] {strides = array<i32>} : memref<512xf32, #tpu.memory_space<vmem>>, vector<16xf32>,
    tpu.vector_store %arg7[%swap3A_156], %gather3A_155 {strides = array<i32>} : memref<512xf32, #tpu.memory_space<vmem>>, vector<16xf32>,
    %get3A_158 = arith.constant 480 : index
    %get3A_159 = tpu.vector_load %arg6[%get3A_158] {strides = array<i32>} : memref<512xi32, #tpu.memory_space<vmem>>, vector<16xi32>,
    %gather3A_160 = tpu.vector_load_idx %arg5[%get3A_159] : memref<1000xf32, #tpu.memory_space<vmem>>[vector<16xi32>], vector<16xf32>,
    %swap3A_161 = arith.constant 480 : index
    %swap3A_162 = tpu.vector_load %arg7[%swap3A_161] {strides = array<i32>} : memref<512xf32, #tpu.memory_space<vmem>>, vector<16xf32>,
    tpu.vector_store %arg7[%swap3A_161], %gather3A_160 {strides = array<i32>} : memref<512xf32, #tpu.memory_space<vmem>>, vector<16xf32>,
    %get3A_163 = arith.constant 496 : index
    %get3A_164 = tpu.vector_load %arg6[%get3A_163] {strides = array<i32>} : memref<512xi32, #tpu.memory_space<vmem>>, vector<16xi32>,
    %gather3A_165 = tpu.vector_load_idx %arg5[%get3A_164] : memref<1000xf32, #tpu.memory_space<vmem>>[vector<16xi32>], vector<16xf32>,
    %swap3A_166 = arith.constant 496 : index
    %swap3A_167 = tpu.vector_load %arg7[%swap3A_166] {strides = array<i32>} : memref<512xf32, #tpu.memory_space<vmem>>, vector<16xf32>,
    tpu.vector_store %arg7[%swap3A_166], %gather3A_165 {strides = array<i32>} : memref<512xf32, #tpu.memory_space<vmem>>, vector<16xf32>,
    %add3A_168 = arith.constant 256 : i32
    %add3A_169 = arith.addi %mul3A_2, %add3A_168 : i32
    %dma_start3A_170 = arith.constant 256 : i32
    %dma_start3A_171 = tpu.memref_slice %arg7[%dma_start3A_170] : memref<512xf32, #tpu.memory_space<vmem>> -> memref<256xf32, #tpu.memory_space<vmem>>
    %dma_start3A_172 = tpu.memref_slice %arg4[%add3A_169] : memref<16384xf32, #tpu.memory_space<hbm>> -> memref<256xf32, #tpu.memory_space<hbm>>
    %dma_start3A_173 = tpu.memref_slice %arg4[%add3A_169] : memref<16384xf32, #tpu.memory_space<hbm>> -> memref<256xf32, #tpu.memory_space<hbm>>
    %dma_start3A_174 = arith.constant 256 : i32
    %dma_start3A_175 = tpu.memref_slice %arg7[%dma_start3A_174] : memref<512xf32, #tpu.memory_space<vmem>> -> memref<256xf32, #tpu.memory_space<vmem>>
    tpu.enqueue_dma source(%dma_start3A_175 : memref<256xf32, #tpu.memory_space<vmem>>) target(%dma_start3A_173 : memref<256xf32, #tpu.memory_space<hbm>>) target_semaphore(%arg9 : memref<!tpu.dma_semaphore, #tpu.memory_space<semaphore_mem>>)
    %dma_wait3A_176 = arith.constant 0 : i32
    %dma_wait3A_177 = tpu.memref_slice %arg7[%dma_wait3A_176] : memref<512xf32, #tpu.memory_space<vmem>> -> memref<256xf32, #tpu.memory_space<vmem>>
    %dma_wait3A_178 = tpu.memref_slice %arg4[%mul3A_2] : memref<16384xf32, #tpu.memory_space<hbm>> -> memref<256xf32, #tpu.memory_space<hbm>>
    %dma_wait3A_179 = tpu.memref_slice %arg4[%mul3A_2] : memref<16384xf32, #tpu.memory_space<hbm>> -> memref<256xf32, #tpu.memory_space<hbm>>
    %dma_wait3A_180 = arith.constant 0 : i32
    %dma_wait3A_181 = tpu.memref_slice %arg7[%dma_wait3A_180] : memref<512xf32, #tpu.memory_space<vmem>> -> memref<256xf32, #tpu.memory_space<vmem>>
    tpu.wait_dma2 semaphore(%arg8 : memref<!tpu.dma_semaphore, #tpu.memory_space<semaphore_mem>>) src(%dma_wait3A_181 : memref<256xf32, #tpu.memory_space<vmem>>) dst(%dma_wait3A_179 : memref<256xf32, #tpu.memory_space<hbm>>)
    %dma_wait3A_182 = arith.constant 256 : i32
    %dma_wait3A_183 = tpu.memref_slice %arg7[%dma_wait3A_182] : memref<512xf32, #tpu.memory_space<vmem>> -> memref<256xf32, #tpu.memory_space<vmem>>
    %dma_wait3A_184 = tpu.memref_slice %arg4[%add3A_169] : memref<16384xf32, #tpu.memory_space<hbm>> -> memref<256xf32, #tpu.memory_space<hbm>>
    %dma_wait3A_185 = tpu.memref_slice %arg4[%add3A_169] : memref<16384xf32, #tpu.memory_space<hbm>> -> memref<256xf32, #tpu.memory_space<hbm>>
    %dma_wait3A_186 = arith.constant 256 : i32
    %dma_wait3A_187 = tpu.memref_slice %arg7[%dma_wait3A_186] : memref<512xf32, #tpu.memory_space<vmem>> -> memref<256xf32, #tpu.memory_space<vmem>>
    tpu.wait_dma2 semaphore(%arg9 : memref<!tpu.dma_semaphore, #tpu.memory_space<semaphore_mem>>) src(%dma_wait3A_187 : memref<256xf32, #tpu.memory_space<vmem>>) dst(%dma_wait3A_185 : memref<256xf32, #tpu.memory_space<hbm>>)
    return
  }
}

</mosaic_0001>

<sc_bundles>
// kernel: kernel.3.cloned.1.call-start
scs
__scs_entry_jumppad:
0x0: {  	(pc) =	sbr.rel $0x88, $3  }
0x1: {  	(tag) =	ssettag $0x0;
	lr =	simm.s32 $0x1  }
0x2: {  	[smem:$0x3F9F] =	sst lr;
	_ =	strace $0xD0000000  }
0x3: {  	_ = 	snop  }
0x4: {  	_ = 	snop  }
0x5: {  	_ = 	snop  }
0x6: {  	_ = 	snop  }
0x7: {  	_ = 	snop  }
__scs_overlays_trampoline_lowered:
0x8: {  	[smem:$0x3FAE] =	sst s0  }
0x9: {  	[smem:$0x3FAF] =	sst s1  }
0xa: {  	[smem:$0x3FB0] =	sst s2  }
0xb: {  	[smem:$0x3FB1] =	sst s3  }
0xc: {  	[smem:$0x3FB2] =	sst s4  }
0xd: {  	[smem:$0x3FB3] =	sst s5  }
0xe: {  	[smem:$0x3FB4] =	sst s6  }
0xf: {  	[smem:$0x3FB5] =	sst s7  }
0x10: {  	[smem:$0x3FB6] =	sst s8  }
0x11: {  	[smem:$0x3FB7] =	sst s9;
	s0 =	simm.s32 @!p0 $0x0  }
0x12: {  	s1 =	sld [smem:$0x3F9D];
	s0 =	simm.s32 @p0 $0x1  }
0x13: {  	[smem:$0x3FB8] =	sst s0;
	s0 =	simm.s32 @!p1 $0x0  }
0x14: {  	s2 =	sld [smem:$0x3F9C];
	s0 =	simm.s32 @p1 $0x1  }
0x15: {  	[smem:$0x3FB9] =	sst s0;
	s0 =	simm.s32 @!p2 $0x0  }
0x16: {  	s3 =	sld [smem:$0x3FDB];
	s0 =	simm.s32 @p2 $0x1  }
0x17: {  	s4 =	simm.s32 $0x1BF5;
	[smem:$0x3FBB] =	sst s0  }
0x18: {  	s0 =	sld [smem:$0x3F9E];
	_ =	swait.ge [sflag:s4], $0x0  }
0x19: {  	s7 =	sld [smem:$0x3F9F]  }
0x1a: {  	s8 =	sadd.s32 $0xFFFFE003, lr  }
0x1b: {  	s9 =	sadd.s32 $0xFFFFFEF7, lr;
	s5 =	simm.s32 $0xFFFFFFFF;
	p2 =	slt.u32 s8, $0xFFFFF086  }
0x1c: {  	p1 =	slt.u32 s9, $0xF7A;
	s5 =	simm.s32 @!p2 $0x0  }
0x1d: {  	s5 =	simm.s32 @p1 $0x1;
	p0 =	seq.s32 s7, s2  }
0x1e: {  	s7 =	smul.u32 @!p0 $0xF7A, s2;
	p2 =	seq.s32 @!p0 s5, $0x0  }
0x1f: {  	s9 =	smul.u32 $0xF7A, s1;
	s8 =	simm.s32 @!p0 $0x1BF5;
	p2 =	por !p2, p0  }
0x20: {  	[sflag:s8] =	ssyncset.s32 @!p0 $0xFFFFF086;
	s6 =	sadd.s32 @!p0 s3, s7;
	s7 =	simm.s32 @!p0 $0x108  }
0x21: {  	s3 =	sadd.s32 s3, s9;
	s6 =	sadd.s32 @!p0 $0x88, s6;
	s7 =	simm.s32 @p2 $0x1082  }
0x22: {  	[simem:s7], [sflag:s8] =	dma.local @!p0 [hbm:s6], $0xF7A  }
0x23: {  	s9 =	sor.u32 $0xD0000000, s2;
	s6 =	simm.s32 $0x108;
	_ =	swait.ge @!p0 [sflag:s8], $0x0  }
0x24: {  	s3 =	sadd.s32 $0x88, s3;
	s6 =	simm.s32 @!p1 $0x1082;
	[sflag:s4] =	ssyncset.s32 $0xFFFFF086  }
0x25: {  	[simem:s6], [sflag:s4] =	dma.local [hbm:s3], $0xF7A  }
0x26: {  	[smem:$0x3F9F] =	sst s1;
	(tag) =	ssettag s2;
	_ =	strace s9  }
0x27: {  	s1 =	sld [smem:$0x3FAF]  }
0x28: {  	s2 =	sld [smem:$0x3FB0]  }
0x29: {  	s4 =	sld [smem:$0x3FB2]  }
0x2a: {  	p0 =	seq.s32 s5, $0x0;
	s5 =	sld [smem:$0x3FB3]  }
0x2b: {  	s6 =	sld [smem:$0x3FB4]  }
0x2c: {  	s7 =	sld [smem:$0x3FB5]  }
0x2d: {  	s3 =	simm.s32 $0x108;
	s8 =	sld [smem:$0x3FB6]  }
0x2e: {  	s3 =	simm.s32 @!p0 $0x1082;
	s9 =	sld [smem:$0x3FB7]  }
0x2f: {  	lr =	sadd.s32 s0, s3;
	s0 =	sld [smem:$0x3FAE]  }
0x30: {  	s3 =	sld [smem:$0x3FB1]  }
0x31: {  	[smem:$0x3FBA] =	sst s10  }
0x32: {  	s10 =	sld [smem:$0x3FB8];
	_ =	sdelay $0x3  }
0x33: {  	p0 =	seq.s32 s10, $0x1;
	s10 =	sld [smem:$0x3FBA];
	_ =	sdelay $0x3  }
0x34: {  	[smem:$0x3FBA] =	sst s10  }
0x35: {  	s10 =	sld [smem:$0x3FB9];
	_ =	sdelay $0x3  }
0x36: {  	p1 =	seq.s32 s10, $0x1;
	s10 =	sld [smem:$0x3FBA];
	_ =	sdelay $0x3  }
0x37: {  	[smem:$0x3FBA] =	sst s10  }
0x38: {  	s10 =	sld [smem:$0x3FBB]  }
0x39: {  	_ = 	snop;
	(pc) =	sbr.ind lr, $3  }
0x3a: {  	_ = 	snop  }
0x3b: {  	_ = 	snop  }
0x3c: {  	p2 =	seq.s32 s10, $0x1;
	s10 =	sld [smem:$0x3FBA]  }
0x3d: {  	_ =	shalt  }
0x3e: {  	_ =	shalt  }
0x3f: {  	_ =	shalt  }
0x40: {  	_ =	shalt  }
0x41: {  	_ =	shalt  }
0x42: {  	_ =	shalt  }
0x43: {  	_ =	shalt  }
0x44: {  	_ =	shalt  }
0x45: {  	_ =	shalt  }
0x46: {  	_ =	shalt  }
0x47: {  	_ =	shalt  }
0x48: {  	_ =	shalt  }
0x49: {  	_ =	shalt  }
0x4a: {  	_ =	shalt  }
0x4b: {  	_ =	shalt  }
0x4c: {  	_ =	shalt  }
0x4d: {  	_ =	shalt  }
0x4e: {  	_ =	shalt  }
0x4f: {  	_ =	shalt  }
0x50: {  	_ =	shalt  }
0x51: {  	_ =	shalt  }
0x52: {  	_ =	shalt  }
0x53: {  	_ =	shalt  }
0x54: {  	_ =	shalt  }
0x55: {  	_ =	shalt  }
0x56: {  	_ =	shalt  }
0x57: {  	_ =	shalt  }
0x58: {  	_ =	shalt  }
0x59: {  	_ =	shalt  }
0x5a: {  	_ =	shalt  }
0x5b: {  	_ =	shalt  }
0x5c: {  	_ =	shalt  }
0x5d: {  	_ =	shalt  }
0x5e: {  	_ =	shalt  }
0x5f: {  	_ =	shalt  }
0x60: {  	_ =	shalt  }
0x61: {  	_ =	shalt  }
0x62: {  	_ =	shalt  }
0x63: {  	_ =	shalt  }
0x64: {  	_ =	shalt  }
0x65: {  	_ =	shalt  }
0x66: {  	_ =	shalt  }
0x67: {  	_ =	shalt  }
0x68: {  	_ =	shalt  }
0x69: {  	_ =	shalt  }
0x6a: {  	_ =	shalt  }
0x6b: {  	_ =	shalt  }
0x6c: {  	_ =	shalt  }
0x6d: {  	_ =	shalt  }
0x6e: {  	_ =	shalt  }
0x6f: {  	_ =	shalt  }
0x70: {  	_ =	shalt  }
0x71: {  	_ =	shalt  }
0x72: {  	_ =	shalt  }
0x73: {  	_ =	shalt  }
0x74: {  	_ =	shalt  }
0x75: {  	_ =	shalt  }
0x76: {  	_ =	shalt  }
0x77: {  	_ =	shalt  }
0x78: {  	_ =	shalt  }
0x79: {  	_ =	shalt  }
0x7a: {  	_ =	shalt  }
0x7b: {  	_ =	shalt  }
0x7c: {  	_ =	shalt  }
0x7d: {  	_ =	shalt  }
0x7e: {  	_ =	shalt  }
0x7f: {  	_ =	shalt  }
0x80: {  	_ =	shalt  }
0x81: {  	_ =	shalt  }
0x82: {  	_ =	shalt  }
0x83: {  	_ =	shalt  }
0x84: {  	_ =	shalt  }
0x85: {  	_ =	shalt  }
0x86: {  	_ =	shalt  }
0x87: {  	_ =	shalt  }
.Lfunc_end0:
.L_simem_size_0:
called_computation_lowered:
.L_overlay_start_0:
0x88: {  	s2 =	sld [smem:$0x3FD9]  }
0x89: {  	s3 =	sld [smem:$0x3FFE];
	_ =	sdelay $0x1  }
0x8a: {  	s1 =	srdreg.scid  }
0x8b: {  	s0 =	sand.u32 $0x1, s1  }
0x8c: {  	s18 =	sshll.u32 s0, $0xA;
	s2 =	sadd.s32 s3, s2  }
0x8d: {  	s2 =	sadd.s32 s2, s18  }
0x8e: {  	[smem:$0x3FC6] =	sst s2  }
0x8f: {  	_ = 	snop  }
0x90: {  	s2 =	sld [smem:$0x3FC9]  }
0x91: {  	s19 =	sld [smem:$0x3FC8]  }
0x92: {  	s4 =	sld [smem:$0x3FD0];
	(tm) =	ssettm $0x1  }
0x93: {  	s5 =	sld [smem:$0x3FFB];
	_ =	sdelay $0x3  }
0x94: {  	_ =	strace s5  }
0x95: {  	s5 =	sld [smem:$0x3FFC];
	_ =	sdelay $0x3  }
0x96: {  	_ =	strace s5  }
0x97: {  	s5 =	sld [smem:$0x3FFD];
	_ =	sdelay $0x3  }
0x98: {  	_ =	strace s5  }
0x99: {  	_ =	strace $0x8FFFFFFF  }
0x9a: {  	s20 =	sld [smem:$0x3FDB];
	_ =	sdelay $0x1  }
0x9b: {  	s6 =	simm.s32 $_scs_section_size  }
0x9c: {  	s7 =	simm.s32 $_size__tile_overlayer_lowered;
	s8 =	simm.s32 $_tile_overlayer_lowered  }
0x9d: {  	s23 =	simm.s32 $0x1BFF;
	s22 =	sshll.u32 s8, $0x1;
	s5 =	sadd.s32 s6, s20  }
0x9e: {  	s9 =	simm.s32 $0x0;
	s21 =	sshll.u32 s7, $0x1;
	s7 =	sadd.s32 s22, s5  }
0x9f: {  	[timem:s9], [sflag:s23] =	dma.local [hbm:s7], s21  }
0xa0: {  	_ =	swait.ge [sflag:s23], s21  }
0xa1: {  	s6 =	ssub.s32 $0x0, s21;
	[sflag:s23] =	ssyncset.done $0x0  }
0xa2: {  	[sflag:s23] =	ssyncadd.s32 s6;
	_ =	sdelay $0x1  }
0xa3: {  	s24 =	simm.s32 $0x1B8B  }
0xa4: {  	_ =	swait.ge [sflag:s24], $0x1  }
0xa5: {  	[sflag:s24] =	ssyncset.done $0x0  }
0xa6: {  	s25 =	simm.s32 $0x1B8E;
	[sflag:s24] =	ssyncadd.s32 $0xFFFFFFFF  }
0xa7: {  	s26 =	simm.s32 $execute0_lowered;
	[smem:$0x3FD2] =	sst s25  }
0xa8: {  	s6 =	sshll.u32 s26, $0x1;
	_ =	strace $0x80000046;
	[dreg:$0x1] =	wrdreg $0xFFFFFFFF  }
0xa9: {  	s28 =	simm.s32 $_size_execute0_lowered;
	s5 =	sadd.s32 s5, s6;
	[dreg:$0x0] =	wrdreg $0x0  }
0xaa: {  	s6 =	sshll.u32 s28, $0x1;
	[dreg:$0x2] =	wrdreg s5  }
0xab: {  	[dreg:$0x3] =	wrdreg s6  }
0xac: {  	[dreg:$0x4] =	wrdreg $0xC0  }
0xad: {  	_ =	task [dreg:s9], $0x5FFFF  }
0xae: {  	[dreg:$0x1] =	wrdreg $0xFFFFFFFF  }
0xaf: {  	[dreg:$0x0] =	wrdreg $0x60  }
0xb0: {  	[dreg:$0x2] =	wrdreg s2  }
0xb1: {  	[dreg:$0x3] =	wrdreg s19  }
0xb2: {  	[dreg:$0x4] =	wrdreg s4  }
0xb3: {  	[dreg:$0x5] =	wrdreg $0x9  }
0xb4: {  	_ =	task.clear_ibuf [dreg:s9], $0x6FFFF;
	_ =	strace $0x90000046  }
0xb5: {  	s29 =	simm.s32 $0x9;
	_ =	strace $0x80000048  }
0xb6: {  	_ =	swait.ge [sflag:s29], $0x1  }
0xb7: {  	[sflag:s29] =	ssyncadd.s32 $0xFFFFFFFF  }
0xb8: {  	_ =	strace $0x90000048  }
0xb9: {  	_ =	sfence  }
0xba: {  	s30 =	sld [smem:$0x0];
	_ =	sdelay $0x2  }
0xbb: {  	s31 =	sshll.u32 s1, $0xD;
	s1 =	sshrl.u32 s1, $0x2  }
0xbc: {  	s3 =	sand.u32 $0x4000, s31;
	s1 =	sadd.s32 s1, s30  }
0xbd: {  	s0 =	sor.u32 s3, s0;
	s1 =	sshll.u32 s1, $0x11  }
0xbe: {  	s0 =	sor.u32 s1, s0  }
0xbf: {  	s0 =	sadd.s32 $0x8F2B, s0  }
0xc0: {  	[sflag:s0] =	ssyncadd.remote.s32 $0x1  }
0xc1: {  	_ =	sfence.sel $0xFFFF  }
0xc2: {  	[dreg:$0x0] =	wrdreg $0xFFFFFFFF;
	(pc) =	sbr.abs _section_cstart, $3  }
0xc3: {  	[dreg:$0x1] =	wrdreg $0xFFFFFFFF  }
0xc4: {  	_ =	task.clear_ibuf [dreg:s9], $0x2FFFF;
	_ =	strace $0x9FFFFFFF  }
0xc5: {  	(tm) =	ssettm $0x7FFFFFFF  }
tec
execute0_lowered:
.L_overlay_start_1:
0x0: {  	(tag) =	ssettag $0x1  }
0x1: {  	s1 =	rddreg [dreg:$0x0]  }
0x2: {  	s5 =	rddreg [dreg:$0x1]  }
0x3: {  	s4 =	rddreg [dreg:$0x2];
	s3 =	srdreg.scid  }
0x4: {  	s0 =	rddreg [dreg:$0x3];
	s2 =	stileid.u32;
	s9 =	simm.s32 $0x1  }
0x5: {  	s10 =	simm.s32 $0x2;
	s11 =	simm.s32 $0x600;
	s12 =	simm.s32 $0x700  }
0x6: {  	s6 =	sand.u32 $0x1, s3;
	s3 =	simm.s32 $0x0;
	s7 =	sshll.u32 s2, $0x7  }
0x7: {  	s8 =	sshll.u32 s6, $0x6;
	[smem:$0x7FF] =	sst s3;
	s6 =	ssub.s32 $0x2, s6  }
0x8: {  	s7 =	sor.u32 s8, s7;
	_ =	strace $0x80000047;
	s31 =	sshrl.u32 s6, $0x1  }
0x9: {  	s4 =	sadd.s32 s4, s7;
	s8 =	ssub.s32 s6, s31;
	s5 =	sadd.s32 s5, s7  }
0xa: {  	s6 =	sadd.s32 $0x20, s4;
	s7 =	smax.u32 s8, $0x1;
	s8 =	simm.s32 $0x400  }
.LBB2_1:
0xb: {  	[tilespmem:s3], [sflag:$0x1] =	stream.linear.gather [hbm4b:s1+s3], $0x400, $0x38;
	[tilespmem:$0x800] =	vst v63  }
0xc: {  	_ = 	snop  }
0xd: {  	[tilespmem:s8], [sflag:$0x2] =	stream.linear.gather [hbm4b:s5+s3], $0x200, $0x38;
	[tilespmem:$0x800] =	vst v63  }
0xe: {  	_ =	swait.ge [sflag:s9], $0x400  }
0xf: {  	[sflag:s9] =	ssyncset.done $0x0  }
0x10: {  	[sflag:s9] =	ssyncadd.s32 $0xFFFFFC00  }
0x11: {  	_ =	swait.ge [sflag:s10], $0x200  }
0x12: {  	[sflag:s10] =	ssyncset.done $0x0  }
0x13: {  	[sflag:s10] =	ssyncadd.s32 $0xFFFFFE00  }
0x14: {  	v0 =	vld [tilespmem:$0x400];
	_ =	sdelay $0x5  }
0x15: {  	v1 =	vld [tilespmem:$0x410];
	_ =	sdelay $0x1  }
0x16: {  	v0 =	vld.idx.msk [tilespmem:v0+s3+$0x0], $0xffff;
	_ =	sdelay $0x3  }
0x17: {  	v2 =	vld [tilespmem:$0x420]  }
0x18: {  	[tilespmem:$0x600] =	vst v0  }
0x19: {  	v0 =	vld.idx.msk [tilespmem:v1+s3+$0x0], $0xffff;
	_ =	sdelay $0x3  }
0x1a: {  	v35 =	vld [tilespmem:$0x430]  }
0x1b: {  	[tilespmem:$0x610] =	vst v0  }
0x1c: {  	v0 =	vld.idx.msk [tilespmem:v2+s3+$0x0], $0xffff;
	_ =	sdelay $0x3  }
0x1d: {  	v36 =	vld [tilespmem:$0x440]  }
0x1e: {  	[tilespmem:$0x620] =	vst v0  }
0x1f: {  	v0 =	vld.idx.msk [tilespmem:v35+s3+$0x0], $0xffff;
	_ =	sdelay $0x3  }
0x20: {  	v37 =	vld [tilespmem:$0x450]  }
0x21: {  	[tilespmem:$0x630] =	vst v0  }
0x22: {  	v0 =	vld.idx.msk [tilespmem:v36+s3+$0x0], $0xffff;
	_ =	sdelay $0x3  }
0x23: {  	v38 =	vld [tilespmem:$0x460]  }
0x24: {  	[tilespmem:$0x640] =	vst v0  }
0x25: {  	v0 =	vld.idx.msk [tilespmem:v37+s3+$0x0], $0xffff;
	_ =	sdelay $0x3  }
0x26: {  	v39 =	vld [tilespmem:$0x470]  }
0x27: {  	[tilespmem:$0x650] =	vst v0  }
0x28: {  	v0 =	vld.idx.msk [tilespmem:v38+s3+$0x0], $0xffff;
	_ =	sdelay $0x3  }
0x29: {  	v40 =	vld [tilespmem:$0x480]  }
0x2a: {  	[tilespmem:$0x660] =	vst v0  }
0x2b: {  	v0 =	vld.idx.msk [tilespmem:v39+s3+$0x0], $0xffff;
	_ =	sdelay $0x3  }
0x2c: {  	v41 =	vld [tilespmem:$0x490]  }
0x2d: {  	[tilespmem:$0x670] =	vst v0  }
0x2e: {  	v0 =	vld.idx.msk [tilespmem:v40+s3+$0x0], $0xffff;
	_ =	sdelay $0x3  }
0x2f: {  	v42 =	vld [tilespmem:$0x4A0]  }
0x30: {  	[tilespmem:$0x680] =	vst v0  }
0x31: {  	v0 =	vld.idx.msk [tilespmem:v41+s3+$0x0], $0xffff;
	_ =	sdelay $0x3  }
0x32: {  	v43 =	vld [tilespmem:$0x4B0]  }
0x33: {  	[tilespmem:$0x690] =	vst v0  }
0x34: {  	v0 =	vld.idx.msk [tilespmem:v42+s3+$0x0], $0xffff;
	_ =	sdelay $0x3  }
0x35: {  	v44 =	vld [tilespmem:$0x4C0]  }
0x36: {  	[tilespmem:$0x6A0] =	vst v0  }
0x37: {  	v0 =	vld.idx.msk [tilespmem:v43+s3+$0x0], $0xffff;
	_ =	sdelay $0x3  }
0x38: {  	v45 =	vld [tilespmem:$0x4D0]  }
0x39: {  	[tilespmem:$0x6B0] =	vst v0  }
0x3a: {  	v0 =	vld.idx.msk [tilespmem:v44+s3+$0x0], $0xffff;
	_ =	sdelay $0x3  }
0x3b: {  	v46 =	vld [tilespmem:$0x4E0]  }
0x3c: {  	[tilespmem:$0x6C0] =	vst v0  }
0x3d: {  	v0 =	vld.idx.msk [tilespmem:v45+s3+$0x0], $0xffff;
	_ =	sdelay $0x3  }
0x3e: {  	v47 =	vld [tilespmem:$0x4F0]  }
0x3f: {  	[tilespmem:$0x6D0] =	vst v0  }
0x40: {  	v0 =	vld.idx.msk [tilespmem:v46+s3+$0x0], $0xffff;
	_ =	sdelay $0x4  }
0x41: {  	[tilespmem:$0x6E0] =	vst v0  }
0x42: {  	v0 =	vld.idx.msk [tilespmem:v47+s3+$0x0], $0xffff;
	_ =	sdelay $0x4  }
0x43: {  	[tilespmem:$0x6F0] =	vst v0  }
0x44: {  	[hbm4b:s4+s3] =	stream.linear.scatter [tilespmem:s11], [sflag:$0x1], $0x100, $0x38;
	[tilespmem:$0x800] =	vst v63  }
0x45: {  	v48 =	vld [tilespmem:$0x500];
	_ =	sdelay $0x5  }
0x46: {  	v49 =	vld [tilespmem:$0x510];
	_ =	sdelay $0x1  }
0x47: {  	v0 =	vld.idx.msk [tilespmem:v48+s3+$0x0], $0xffff;
	_ =	sdelay $0x3  }
0x48: {  	v50 =	vld [tilespmem:$0x520]  }
0x49: {  	[tilespmem:$0x700] =	vst v0  }
0x4a: {  	v0 =	vld.idx.msk [tilespmem:v49+s3+$0x0], $0xffff;
	_ =	sdelay $0x3  }
0x4b: {  	v51 =	vld [tilespmem:$0x530]  }
0x4c: {  	[tilespmem:$0x710] =	vst v0  }
0x4d: {  	v0 =	vld.idx.msk [tilespmem:v50+s3+$0x0], $0xffff;
	_ =	sdelay $0x3  }
0x4e: {  	v52 =	vld [tilespmem:$0x540]  }
0x4f: {  	[tilespmem:$0x720] =	vst v0  }
0x50: {  	v0 =	vld.idx.msk [tilespmem:v51+s3+$0x0], $0xffff;
	_ =	sdelay $0x3  }
0x51: {  	v53 =	vld [tilespmem:$0x550]  }
0x52: {  	[tilespmem:$0x730] =	vst v0  }
0x53: {  	v0 =	vld.idx.msk [tilespmem:v52+s3+$0x0], $0xffff;
	_ =	sdelay $0x3  }
0x54: {  	v54 =	vld [tilespmem:$0x560]  }
0x55: {  	[tilespmem:$0x740] =	vst v0  }
0x56: {  	v0 =	vld.idx.msk [tilespmem:v53+s3+$0x0], $0xffff;
	_ =	sdelay $0x3  }
0x57: {  	v55 =	vld [tilespmem:$0x570]  }
0x58: {  	[tilespmem:$0x750] =	vst v0  }
0x59: {  	v0 =	vld.idx.msk [tilespmem:v54+s3+$0x0], $0xffff;
	_ =	sdelay $0x3  }
0x5a: {  	v56 =	vld [tilespmem:$0x580]  }
0x5b: {  	[tilespmem:$0x760] =	vst v0  }
0x5c: {  	v0 =	vld.idx.msk [tilespmem:v55+s3+$0x0], $0xffff;
	_ =	sdelay $0x3  }
0x5d: {  	v57 =	vld [tilespmem:$0x590]  }
0x5e: {  	[tilespmem:$0x770] =	vst v0  }
0x5f: {  	v0 =	vld.idx.msk [tilespmem:v56+s3+$0x0], $0xffff;
	_ =	sdelay $0x3  }
0x60: {  	v58 =	vld [tilespmem:$0x5A0]  }
0x61: {  	[tilespmem:$0x780] =	vst v0  }
0x62: {  	v0 =	vld.idx.msk [tilespmem:v57+s3+$0x0], $0xffff;
	_ =	sdelay $0x3  }
0x63: {  	v59 =	vld [tilespmem:$0x5B0]  }
0x64: {  	[tilespmem:$0x790] =	vst v0  }
0x65: {  	v0 =	vld.idx.msk [tilespmem:v58+s3+$0x0], $0xffff;
	_ =	sdelay $0x3  }
0x66: {  	v60 =	vld [tilespmem:$0x5C0]  }
0x67: {  	[tilespmem:$0x7A0] =	vst v0  }
0x68: {  	v0 =	vld.idx.msk [tilespmem:v59+s3+$0x0], $0xffff;
	_ =	sdelay $0x3  }
0x69: {  	v61 =	vld [tilespmem:$0x5D0]  }
0x6a: {  	[tilespmem:$0x7B0] =	vst v0  }
0x6b: {  	v0 =	vld.idx.msk [tilespmem:v60+s3+$0x0], $0xffff;
	_ =	sdelay $0x3  }
0x6c: {  	v62 =	vld [tilespmem:$0x5E0]  }
0x6d: {  	[tilespmem:$0x7C0] =	vst v0  }
0x6e: {  	v0 =	vld.idx.msk [tilespmem:v61+s3+$0x0], $0xffff;
	_ =	sdelay $0x3  }
0x6f: {  	v63 =	vld [tilespmem:$0x5F0]  }
0x70: {  	[tilespmem:$0x7D0] =	vst v0  }
0x71: {  	v0 =	vld.idx.msk [tilespmem:v62+s3+$0x0], $0xffff;
	_ =	sdelay $0x4  }
0x72: {  	[tilespmem:$0x7E0] =	vst v0  }
0x73: {  	v0 =	vld.idx.msk [tilespmem:v63+s3+$0x0], $0xffff;
	_ =	sdelay $0x4  }
0x74: {  	[tilespmem:$0x7F0] =	vst v0  }
0x75: {  	[hbm4b:s6+s3] =	stream.linear.scatter [tilespmem:s12], [sflag:$0x2], $0x100, $0x38;
	[tilespmem:$0x800] =	vst v63  }
0x76: {  	p0 =	sne.s32 s7, $0x1;
	_ =	swait.ge [sflag:s9], $0x100  }
.Ltmp0:
0x77: {  	[sflag:s9] =	ssyncset.done $0x0;
	(pc) =	sbr.rel @p0 .LBB2_1-.Ltmp0, $4  }
0x78: {  	[sflag:s9] =	ssyncadd.s32 $0xFFFFFF00  }
0x79: {  	_ =	swait.ge [sflag:s10], $0x100  }
0x7a: {  	[sflag:s10] =	ssyncset.done $0x0  }
0x7b: {  	s7 =	sadd.s32 $0xFFFFFFFF, s7;
	[sflag:s10] =	ssyncadd.s32 $0xFFFFFF00  }
0x7c: {  	_ =	sfence.sel $0x180000  }
0x7d: {  	[bflag:$0x0] =	sbarrier.arrive $0xFFFF  }
0x7e: {  	p0 =	sne.s32 s2, $0x0;
	_ =	strace $0x90000047  }
0x7f: {  	s0 =	sadd.s32 @!p0 $0x100000, s0;
	[bflag:$0x2] =	sbarrier.arrive $0xFFFF  }
0x80: {  	[sflag:s0] =	ssyncadd.tile.s32 @!p0 $0x1;
	_ =	shalt  }
.Lfunc_end2:
_tile_overlayer_lowered:
.L_overlay_start_2:
0x81: {  	(tag) =	ssettag $0x2  }
0x82: {  	s0 =	rddreg [dreg:$0x0];
	s2 =	stileid.u32  }
0x83: {  	s1 =	rddreg [dreg:$0x1];
	p0 =	sne.s32 s2, $0x0  }
0x84: {  	s3 =	rddreg [dreg:$0x2];
	[bflag:$0x3] =	sbarrier.arrive $0xFFFF;
	s2 =	simm.s32 @!p0 $0x1C03  }
0x85: {  	[timem:s3], [sflag:s2] =	dma.local @!p0 [hbm:s0], s1  }
0x86: {  	s0 =	simm.s32 @!p0 $0x3  }
0x87: {  	_ =	swait.ge @!p0 [sflag:s0], s1  }
0x88: {  	s1 =	ssub.s32 @!p0 $0x0, s1;
	[sflag:s0] =	ssyncset.done @!p0 $0x0  }
0x89: {  	[sflag:s0] =	ssyncadd.s32 @!p0 s1  }
0x8a: {  	[bflag:$0x3] =	sbarrier.arrive $0xFFFF  }
0x8b: {  	_ =	shalt  }

</sc_bundles>
